<compile_context>
chip_gen: v7x
topology: tpu7x:2x2x1
jax: 0.10.2.dev20260603
libtpu: 0.0.44.dev20260713+nightly
codegen_flags: <defaults>
</compile_context>

<pallas_src>
import functools

import jax
import jax.numpy as jnp
from jax import lax
from jax.experimental import pallas as pl
from jax.experimental.pallas import tpu as pltpu
from jax.experimental.pallas import tpu_sc as plsc

_N = 10000
_D = 128
_E = 320000

_NC = 2
_NS = 16
_NW = _NC * _NS
_CHUNK = 125
_G = 40
_NSUPER = 2
_NCHUNK = _G * _NSUPER
_EPW = _CHUNK * _NCHUNK
_NBUF = 2
_NPAD = 10240
_RPS = _NPAD // _NS


def _sc_aggregate(x, src, dst, zblk):
    mesh = plsc.VectorSubcoreMesh(core_axis_name="c", subcore_axis_name="s")

    @functools.partial(
        pl.kernel,
        out_type=jax.ShapeDtypeStruct((_NC, _NPAD, _D), jnp.float32),
        mesh=mesh,
        scratch_types=[
            pltpu.VMEM((_G, _CHUNK), jnp.int32),
            pltpu.VMEM((_G, _CHUNK), jnp.int32),
        ] + [pltpu.VMEM((_CHUNK, _D), jnp.float32) for _ in range(_NBUF)]
          + [pltpu.VMEM_SHARED((_NPAD, _D), jnp.float32)]
          + [pltpu.SemaphoreType.DMA for _ in range(2 * _NBUF)],
    )
    def agg_kernel(x_hbm, src_hbm, dst_hbm, z_hbm, out_hbm,
                   sidx, didx, *rest):
        bufs = rest[:_NBUF]
        accsh = rest[_NBUF]
        gsems = rest[_NBUF + 1:2 * _NBUF + 1]
        ssems = rest[2 * _NBUF + 1:]
        cid = lax.axis_index("c")
        sid = lax.axis_index("s")
        wid = sid * _NC + cid

        pltpu.sync_copy(z_hbm, accsh.at[pl.ds(sid * _RPS, _RPS)])
        plsc.subcore_barrier()

        def outer(g, _):
            pltpu.sync_copy(src_hbm.at[wid, g], sidx)
            pltpu.sync_copy(dst_hbm.at[wid, g], didx)

            def body(i, _):
                j = i * _NBUF
                gd, sd = [], []
                for b in range(_NBUF):
                    gd.append(pltpu.async_copy(x_hbm.at[sidx.at[j + b]],
                                               bufs[b], gsems[b]))
                for b in range(_NBUF):
                    gd[b].wait()
                    sd.append(pltpu.async_copy(
                        bufs[b], accsh.at[didx.at[j + b]], ssems[b], add=True))
                for b in range(_NBUF):
                    sd[b].wait()
                return ()

            lax.fori_loop(0, _G // _NBUF, body, (), unroll=False)
            return ()

        lax.fori_loop(0, _NSUPER, outer, (), unroll=False)
        plsc.subcore_barrier()

        pltpu.sync_copy(accsh.at[pl.ds(sid * _RPS, _RPS)],
                        out_hbm.at[cid, pl.ds(sid * _RPS, _RPS)])

    return agg_kernel(x, src, dst, zblk)


def _tc_mlp(x, aggp, W1, b1, g1, bb1, W2, b2, g2, bb2, lng, lnb):
    def body(x_ref, ap_ref, w1_ref, b1_ref, g1_ref, bb1_ref,
             w2_ref, b2_ref, g2_ref, bb2_ref, lng_ref, lnb_ref, o_ref):
        xx = x_ref[...]
        h = xx + ap_ref[0, :_N] + ap_ref[1, :_N]
        h = lax.dot_general(h, w1_ref[...], (((1,), (1,)), ((), ())),
                            preferred_element_type=jnp.float32) + b1_ref[...]
        mu = jnp.mean(h, axis=0, keepdims=True)
        var = jnp.mean(jnp.square(h - mu), axis=0, keepdims=True)
        h = (h - mu) * lax.rsqrt(var + 1e-5) * g1_ref[...] + bb1_ref[...]
        h = jnp.maximum(h, 0.0)
        h = lax.dot_general(h, w2_ref[...], (((1,), (1,)), ((), ())),
                            preferred_element_type=jnp.float32) + b2_ref[...]
        mu = jnp.mean(h, axis=0, keepdims=True)
        var = jnp.mean(jnp.square(h - mu), axis=0, keepdims=True)
        h = (h - mu) * lax.rsqrt(var + 1e-5) * g2_ref[...] + bb2_ref[...]
        h = jnp.maximum(h, 0.0)
        o = h + xx
        mu = jnp.mean(o, axis=1, keepdims=True)
        var = jnp.mean(jnp.square(o - mu), axis=1, keepdims=True)
        o_ref[...] = (o - mu) * lax.rsqrt(var + 1e-5) * lng_ref[...] + lnb_ref[...]

    return pl.pallas_call(
        body,
        out_shape=jax.ShapeDtypeStruct((_N, _D), jnp.float32),
    )(x, aggp, W1, b1, g1, bb1, W2, b2, g2, bb2, lng, lnb)


def kernel(x, edge_index, W1, b1, bn1_g, bn1_b, W2, b2, bn2_g, bn2_b, ln_g, ln_b):
    src = edge_index[0].reshape(_NW, _NSUPER, _G, _CHUNK)
    dst = edge_index[1].reshape(_NW, _NSUPER, _G, _CHUNK)
    zblk = jnp.zeros((_RPS, _D), jnp.float32)
    aggp = _sc_aggregate(x, src, dst, zblk)
    r = lambda v: v.reshape(1, _D)
    return _tc_mlp(x, aggp, W1, r(b1), r(bn1_g), r(bn1_b),
                   W2, r(b2), r(bn2_g), r(bn2_b), r(ln_g), r(ln_b))

# --- scband reference (transcript-rebuilt; emitter-appended) ---
"""Pipeline reference for scband-residual-ginlayer-1812476199538 (READ-ONLY COPY).

The authoritative reference and input builder live on the scoring server;
editing this copy changes nothing except your own understanding.
"""

import jax, jax.numpy as jnp
import numpy as np

N_NODES = 10000
D = 128
N_EDGES = 320000


def setup_inputs(seed: int = 0) -> dict:
    key = jax.random.key(seed)
    ks = jax.random.split(key, 12)
    x = jax.random.normal(ks[0], (N_NODES, D), dtype=jnp.float32)
    edge_index = jax.random.randint(ks[1], (2, N_EDGES), 0, N_NODES, dtype=jnp.int32)
    s = 1.0 / np.sqrt(D)
    W1 = jax.random.uniform(ks[2], (D, D), dtype=jnp.float32, minval=-s, maxval=s)
    b1 = jax.random.uniform(ks[3], (D,), dtype=jnp.float32, minval=-s, maxval=s)
    bn1_g = jnp.ones((D,), dtype=jnp.float32)
    bn1_b = jnp.zeros((D,), dtype=jnp.float32)
    W2 = jax.random.uniform(ks[4], (D, D), dtype=jnp.float32, minval=-s, maxval=s)
    b2 = jax.random.uniform(ks[5], (D,), dtype=jnp.float32, minval=-s, maxval=s)
    bn2_g = jnp.ones((D,), dtype=jnp.float32)
    bn2_b = jnp.zeros((D,), dtype=jnp.float32)
    ln_g = jnp.ones((D,), dtype=jnp.float32)
    ln_b = jnp.zeros((D,), dtype=jnp.float32)
    return {"x": x, "edge_index": edge_index, "W1": W1, "b1": b1,
            "bn1_g": bn1_g, "bn1_b": bn1_b, "W2": W2, "b2": b2,
            "bn2_g": bn2_g, "bn2_b": bn2_b, "ln_g": ln_g, "ln_b": ln_b}


def _batchnorm(h, g, b, eps=1e-5):
    # training-mode BatchNorm1d: batch statistics, biased variance
    mu = jnp.mean(h, axis=0, keepdims=True)
    var = jnp.mean((h - mu) ** 2, axis=0, keepdims=True)
    return (h - mu) / jnp.sqrt(var + eps) * g + b


def _layernorm(h, g, b, eps=1e-5):
    mu = jnp.mean(h, axis=-1, keepdims=True)
    var = jnp.mean((h - mu) ** 2, axis=-1, keepdims=True)
    return (h - mu) / jnp.sqrt(var + eps) * g + b


def reference(x, edge_index, W1, b1, bn1_g, bn1_b, W2, b2, bn2_g, bn2_b, ln_g, ln_b):
    src = edge_index[0]
    dst = edge_index[1]
    # GINConv sum aggregation: agg[i] = sum_{(j->i)} x[j]
    msgs = jnp.take(x, src, axis=0)
    agg = jax.ops.segment_sum(msgs, dst, num_segments=N_NODES)
    eps_gin = 0.0
    h = (1.0 + eps_gin) * x + agg
    # ConfigurableMLPBlock: Linear -> BN -> ReLU -> Linear -> BN -> ReLU(final)
    h = h @ W1.T + b1
    h = _batchnorm(h, bn1_g, bn1_b)
    h = jax.nn.relu(h)
    h = h @ W2.T + b2
    h = _batchnorm(h, bn2_g, bn2_b)
    h = jax.nn.relu(h)
    # residual connection (input_dim == hidden_dim, no projection) + LayerNorm
    out = h + x
    out = _layernorm(out, ln_g, ln_b)
    # final dropout p=0.0 -> identity
    return out

if __name__ == "__main__":
    import jax
    _d = setup_inputs()
    print(jax.jit(kernel)(*tuple(_d.values())))

</pallas_src>

<mosaic_0001>
#map = affine_map<(d0, d1) -> (0, 0)>
#map1 = affine_map<(d0, d1) -> (0, 0, 0, 0)>
#map2 = affine_map<(d0, d1) -> (0, 0, 0)>
module attributes {stable_mosaic.version = 14 : i64} {
  func.func @agg_kernel(%arg0: i32, %arg1: i32, %arg2: memref<10000x128xf32, #tpu.memory_space<hbm>>, %arg3: memref<32x2x40x125xi32, #tpu.memory_space<hbm>>, %arg4: memref<32x2x40x125xi32, #tpu.memory_space<hbm>>, %arg5: memref<640x128xf32, #tpu.memory_space<hbm>>, %arg6: memref<2x10240x128xf32, #tpu.memory_space<hbm>>, %arg7: memref<40x125xi32, #tpu.memory_space<vmem>>, %arg8: memref<40x125xi32, #tpu.memory_space<vmem>>, %arg9: memref<125x128xf32, #tpu.memory_space<vmem>>, %arg10: memref<125x128xf32, #tpu.memory_space<vmem>>, %arg11: memref<10240x128xf32, #tpu.memory_space<vmem_shared>>, %arg12: memref<!tpu.dma_semaphore, #tpu.memory_space<semaphore_mem>>, %arg13: memref<!tpu.dma_semaphore, #tpu.memory_space<semaphore_mem>>, %arg14: memref<!tpu.dma_semaphore, #tpu.memory_space<semaphore_mem>>, %arg15: memref<!tpu.dma_semaphore, #tpu.memory_space<semaphore_mem>>) attributes {dimension_semantics = [#tpu.dimension_semantics<core_parallel>, #tpu.dimension_semantics<subcore_parallel>], iteration_bounds = array<i64: 2, 16>, scalar_prefetch = 0 : i64, scratch_operands = 9 : i64, tpu.core_type = #tpu.core_type<sc_vector_subcore>, window_params = [{transform_indices = #map}, {transform_indices = #map1}, {transform_indices = #map1}, {transform_indices = #map}, {transform_indices = #map2}]} {
    %mul3A = arith.constant 2 : i32
    %mul3A_0 = arith.muli %arg1, %mul3A : i32
    %add3A = arith.addi %mul3A_0, %arg0 : i32
    %mul3A_1 = arith.constant 640 : i32
    %mul3A_2 = arith.muli %arg1, %mul3A_1 : i32
    "tpu.region"() ({
      %run_scoped3A = tpu.sem_alloc : memref<!tpu.dma_semaphore, #tpu.memory_space<semaphore_mem>>
      %dma_start3A = arith.constant 0 : i32
      %dma_start3A_12 = tpu.memref_slice %arg11[%mul3A_2, %dma_start3A] : memref<10240x128xf32, #tpu.memory_space<vmem_shared>> -> memref<640x128xf32, #tpu.memory_space<vmem_shared>>
      tpu.enqueue_dma source(%arg5 : memref<640x128xf32, #tpu.memory_space<hbm>>) target(%dma_start3A_12 : memref<640x128xf32, #tpu.memory_space<vmem_shared>>) target_semaphore(%run_scoped3A : memref<!tpu.dma_semaphore, #tpu.memory_space<semaphore_mem>>)
      %dma_wait3A = arith.constant 0 : i32
      %dma_wait3A_13 = tpu.memref_slice %arg11[%mul3A_2, %dma_wait3A] : memref<10240x128xf32, #tpu.memory_space<vmem_shared>> -> memref<640x128xf32, #tpu.memory_space<vmem_shared>>
      tpu.wait_dma2 semaphore(%run_scoped3A : memref<!tpu.dma_semaphore, #tpu.memory_space<semaphore_mem>>) src(%arg5 : memref<640x128xf32, #tpu.memory_space<hbm>>) dst(%dma_wait3A_13 : memref<640x128xf32, #tpu.memory_space<vmem_shared>>)
      tpu.yield
    }) : () -> ()
    %barrier3A = arith.constant 0 : index
    tpu.barrier barrier_id(%barrier3A)
    %scan3A = arith.constant 0 : i32
    %scan3A_3 = arith.constant 2 : i32
    %scan3A_4 = arith.addi %scan3A, %scan3A_3 : i32
    %scan3A_5 = arith.constant 1 : i32
    scf.for %scan3A_12 = %scan3A to %scan3A_4 step %scan3A_5  : i32 {
      "tpu.region"() ({
        %run_scoped3A = tpu.sem_alloc : memref<!tpu.dma_semaphore, #tpu.memory_space<semaphore_mem>>
        %dma_start3A = arith.constant 0 : i32
        %dma_start3A_18 = arith.constant 0 : i32
        %dma_start3A_19 = tpu.memref_slice %arg3[%add3A, %scan3A_12, %dma_start3A, %dma_start3A_18] : memref<32x2x40x125xi32, #tpu.memory_space<hbm>> -> memref<1x1x40x125xi32, #tpu.memory_space<hbm>>
        %dma_start3A_20 = tpu.memref_squeeze %dma_start3A_19 : memref<1x1x40x125xi32, #tpu.memory_space<hbm>> -> memref<40x125xi32, #tpu.memory_space<hbm>>
        %dma_start3A_21 = arith.constant 0 : i32
        %dma_start3A_22 = arith.constant 0 : i32
        %dma_start3A_23 = tpu.memref_slice %arg3[%add3A, %scan3A_12, %dma_start3A_21, %dma_start3A_22] : memref<32x2x40x125xi32, #tpu.memory_space<hbm>> -> memref<1x1x40x125xi32, #tpu.memory_space<hbm>>
        %dma_start3A_24 = tpu.memref_squeeze %dma_start3A_23 : memref<1x1x40x125xi32, #tpu.memory_space<hbm>> -> memref<40x125xi32, #tpu.memory_space<hbm>>
        tpu.enqueue_dma source(%dma_start3A_24 : memref<40x125xi32, #tpu.memory_space<hbm>>) target(%arg7 : memref<40x125xi32, #tpu.memory_space<vmem>>) target_semaphore(%run_scoped3A : memref<!tpu.dma_semaphore, #tpu.memory_space<semaphore_mem>>)
        %dma_wait3A = arith.constant 0 : i32
        %dma_wait3A_25 = arith.constant 0 : i32
        %dma_wait3A_26 = tpu.memref_slice %arg3[%add3A, %scan3A_12, %dma_wait3A, %dma_wait3A_25] : memref<32x2x40x125xi32, #tpu.memory_space<hbm>> -> memref<1x1x40x125xi32, #tpu.memory_space<hbm>>
        %dma_wait3A_27 = tpu.memref_squeeze %dma_wait3A_26 : memref<1x1x40x125xi32, #tpu.memory_space<hbm>> -> memref<40x125xi32, #tpu.memory_space<hbm>>
        %dma_wait3A_28 = arith.constant 0 : i32
        %dma_wait3A_29 = arith.constant 0 : i32
        %dma_wait3A_30 = tpu.memref_slice %arg3[%add3A, %scan3A_12, %dma_wait3A_28, %dma_wait3A_29] : memref<32x2x40x125xi32, #tpu.memory_space<hbm>> -> memref<1x1x40x125xi32, #tpu.memory_space<hbm>>
        %dma_wait3A_31 = tpu.memref_squeeze %dma_wait3A_30 : memref<1x1x40x125xi32, #tpu.memory_space<hbm>> -> memref<40x125xi32, #tpu.memory_space<hbm>>
        tpu.wait_dma2 semaphore(%run_scoped3A : memref<!tpu.dma_semaphore, #tpu.memory_space<semaphore_mem>>) src(%dma_wait3A_31 : memref<40x125xi32, #tpu.memory_space<hbm>>) dst(%arg7 : memref<40x125xi32, #tpu.memory_space<vmem>>)
        tpu.yield
      }) : () -> ()
      "tpu.region"() ({
        %run_scoped3A = tpu.sem_alloc : memref<!tpu.dma_semaphore, #tpu.memory_space<semaphore_mem>>
        %dma_start3A = arith.constant 0 : i32
        %dma_start3A_18 = arith.constant 0 : i32
        %dma_start3A_19 = tpu.memref_slice %arg4[%add3A, %scan3A_12, %dma_start3A, %dma_start3A_18] : memref<32x2x40x125xi32, #tpu.memory_space<hbm>> -> memref<1x1x40x125xi32, #tpu.memory_space<hbm>>
        %dma_start3A_20 = tpu.memref_squeeze %dma_start3A_19 : memref<1x1x40x125xi32, #tpu.memory_space<hbm>> -> memref<40x125xi32, #tpu.memory_space<hbm>>
        %dma_start3A_21 = arith.constant 0 : i32
        %dma_start3A_22 = arith.constant 0 : i32
        %dma_start3A_23 = tpu.memref_slice %arg4[%add3A, %scan3A_12, %dma_start3A_21, %dma_start3A_22] : memref<32x2x40x125xi32, #tpu.memory_space<hbm>> -> memref<1x1x40x125xi32, #tpu.memory_space<hbm>>
        %dma_start3A_24 = tpu.memref_squeeze %dma_start3A_23 : memref<1x1x40x125xi32, #tpu.memory_space<hbm>> -> memref<40x125xi32, #tpu.memory_space<hbm>>
        tpu.enqueue_dma source(%dma_start3A_24 : memref<40x125xi32, #tpu.memory_space<hbm>>) target(%arg8 : memref<40x125xi32, #tpu.memory_space<vmem>>) target_semaphore(%run_scoped3A : memref<!tpu.dma_semaphore, #tpu.memory_space<semaphore_mem>>)
        %dma_wait3A = arith.constant 0 : i32
        %dma_wait3A_25 = arith.constant 0 : i32
        %dma_wait3A_26 = tpu.memref_slice %arg4[%add3A, %scan3A_12, %dma_wait3A, %dma_wait3A_25] : memref<32x2x40x125xi32, #tpu.memory_space<hbm>> -> memref<1x1x40x125xi32, #tpu.memory_space<hbm>>
        %dma_wait3A_27 = tpu.memref_squeeze %dma_wait3A_26 : memref<1x1x40x125xi32, #tpu.memory_space<hbm>> -> memref<40x125xi32, #tpu.memory_space<hbm>>
        %dma_wait3A_28 = arith.constant 0 : i32
        %dma_wait3A_29 = arith.constant 0 : i32
        %dma_wait3A_30 = tpu.memref_slice %arg4[%add3A, %scan3A_12, %dma_wait3A_28, %dma_wait3A_29] : memref<32x2x40x125xi32, #tpu.memory_space<hbm>> -> memref<1x1x40x125xi32, #tpu.memory_space<hbm>>
        %dma_wait3A_31 = tpu.memref_squeeze %dma_wait3A_30 : memref<1x1x40x125xi32, #tpu.memory_space<hbm>> -> memref<40x125xi32, #tpu.memory_space<hbm>>
        tpu.wait_dma2 semaphore(%run_scoped3A : memref<!tpu.dma_semaphore, #tpu.memory_space<semaphore_mem>>) src(%dma_wait3A_31 : memref<40x125xi32, #tpu.memory_space<hbm>>) dst(%arg8 : memref<40x125xi32, #tpu.memory_space<vmem>>)
        tpu.yield
      }) : () -> ()
      %scan3A_13 = arith.constant 0 : i32
      %scan3A_14 = arith.constant 20 : i32
      %scan3A_15 = arith.addi %scan3A_13, %scan3A_14 : i32
      %scan3A_16 = arith.constant 1 : i32
      scf.for %scan3A_18 = %scan3A_13 to %scan3A_15 step %scan3A_16  : i32 {
        %mul3A_19 = arith.constant 2 : i32
        %mul3A_20 = arith.muli %scan3A_18, %mul3A_19 : i32
        %add3A_21 = arith.constant 0 : i32
        %add3A_22 = arith.addi %mul3A_20, %add3A_21 : i32
        %dma_start3A = arith.constant 0 : i32
        %dma_start3A_23 = tpu.memref_slice %arg7[%add3A_22, %dma_start3A] : memref<40x125xi32, #tpu.memory_space<vmem>> -> memref<1x125xi32, #tpu.memory_space<vmem>>
        %dma_start3A_24 = tpu.memref_squeeze %dma_start3A_23 : memref<1x125xi32, #tpu.memory_space<vmem>> -> memref<125xi32, #tpu.memory_space<vmem>>
        %dma_start3A_25 = arith.constant 0 : i32
        %dma_start3A_26 = arith.constant 0 : i32
        %dma_start3A_27 = tpu.memref_slice %arg2[%dma_start3A_25, %dma_start3A_26] : memref<10000x128xf32, #tpu.memory_space<hbm>> -> memref<10000x128xf32, #tpu.memory_space<hbm>>
        tpu.enqueue_indirect_dma source(%dma_start3A_27 : memref<10000x128xf32, #tpu.memory_space<hbm>>) target(%arg9 : memref<125x128xf32, #tpu.memory_space<vmem>>) offsets(%dma_start3A_24 : memref<125xi32, #tpu.memory_space<vmem>>) semaphore(%arg12 : memref<!tpu.dma_semaphore, #tpu.memory_space<semaphore_mem>>)
        %add3A_28 = arith.constant 1 : i32
        %add3A_29 = arith.addi %mul3A_20, %add3A_28 : i32
        %dma_start3A_30 = arith.constant 0 : i32
        %dma_start3A_31 = tpu.memref_slice %arg7[%add3A_29, %dma_start3A_30] : memref<40x125xi32, #tpu.memory_space<vmem>> -> memref<1x125xi32, #tpu.memory_space<vmem>>
        %dma_start3A_32 = tpu.memref_squeeze %dma_start3A_31 : memref<1x125xi32, #tpu.memory_space<vmem>> -> memref<125xi32, #tpu.memory_space<vmem>>
        %dma_start3A_33 = arith.constant 0 : i32
        %dma_start3A_34 = arith.constant 0 : i32
        %dma_start3A_35 = tpu.memref_slice %arg2[%dma_start3A_33, %dma_start3A_34] : memref<10000x128xf32, #tpu.memory_space<hbm>> -> memref<10000x128xf32, #tpu.memory_space<hbm>>
        tpu.enqueue_indirect_dma source(%dma_start3A_35 : memref<10000x128xf32, #tpu.memory_space<hbm>>) target(%arg10 : memref<125x128xf32, #tpu.memory_space<vmem>>) offsets(%dma_start3A_32 : memref<125xi32, #tpu.memory_space<vmem>>) semaphore(%arg13 : memref<!tpu.dma_semaphore, #tpu.memory_space<semaphore_mem>>)
        %dma_wait3A = arith.constant 0 : i32
        %dma_wait3A_36 = tpu.memref_slice %arg7[%add3A_22, %dma_wait3A] : memref<40x125xi32, #tpu.memory_space<vmem>> -> memref<1x125xi32, #tpu.memory_space<vmem>>
        %dma_wait3A_37 = tpu.memref_squeeze %dma_wait3A_36 : memref<1x125xi32, #tpu.memory_space<vmem>> -> memref<125xi32, #tpu.memory_space<vmem>>
        %dma_wait3A_38 = arith.constant 0 : i32
        %dma_wait3A_39 = arith.constant 0 : i32
        %dma_wait3A_40 = tpu.memref_slice %arg2[%dma_wait3A_38, %dma_wait3A_39] : memref<10000x128xf32, #tpu.memory_space<hbm>> -> memref<10000x128xf32, #tpu.memory_space<hbm>>
        tpu.wait_indirect_dma semaphore(%arg12 : memref<!tpu.dma_semaphore, #tpu.memory_space<semaphore_mem>>) src(%dma_wait3A_40 : memref<10000x128xf32, #tpu.memory_space<hbm>>) dst(%arg9 : memref<125x128xf32, #tpu.memory_space<vmem>>)
        %add3A_41 = arith.constant 0 : i32
        %add3A_42 = arith.addi %mul3A_20, %add3A_41 : i32
        %dma_start3A_43 = arith.constant 0 : i32
        %dma_start3A_44 = tpu.memref_slice %arg8[%add3A_42, %dma_start3A_43] : memref<40x125xi32, #tpu.memory_space<vmem>> -> memref<1x125xi32, #tpu.memory_space<vmem>>
        %dma_start3A_45 = tpu.memref_squeeze %dma_start3A_44 : memref<1x125xi32, #tpu.memory_space<vmem>> -> memref<125xi32, #tpu.memory_space<vmem>>
        %dma_start3A_46 = arith.constant 0 : i32
        %dma_start3A_47 = arith.constant 0 : i32
        %dma_start3A_48 = tpu.memref_slice %arg11[%dma_start3A_46, %dma_start3A_47] : memref<10240x128xf32, #tpu.memory_space<vmem_shared>> -> memref<10240x128xf32, #tpu.memory_space<vmem_shared>>
        tpu.enqueue_indirect_dma source(%arg9 : memref<125x128xf32, #tpu.memory_space<vmem>>) target(%dma_start3A_48 : memref<10240x128xf32, #tpu.memory_space<vmem_shared>>) offsets(%dma_start3A_45 : memref<125xi32, #tpu.memory_space<vmem>>) semaphore(%arg14 : memref<!tpu.dma_semaphore, #tpu.memory_space<semaphore_mem>>) {add = true}
        %dma_wait3A_49 = arith.constant 0 : i32
        %dma_wait3A_50 = tpu.memref_slice %arg7[%add3A_29, %dma_wait3A_49] : memref<40x125xi32, #tpu.memory_space<vmem>> -> memref<1x125xi32, #tpu.memory_space<vmem>>
        %dma_wait3A_51 = tpu.memref_squeeze %dma_wait3A_50 : memref<1x125xi32, #tpu.memory_space<vmem>> -> memref<125xi32, #tpu.memory_space<vmem>>
        %dma_wait3A_52 = arith.constant 0 : i32
        %dma_wait3A_53 = arith.constant 0 : i32
        %dma_wait3A_54 = tpu.memref_slice %arg2[%dma_wait3A_52, %dma_wait3A_53] : memref<10000x128xf32, #tpu.memory_space<hbm>> -> memref<10000x128xf32, #tpu.memory_space<hbm>>
        tpu.wait_indirect_dma semaphore(%arg13 : memref<!tpu.dma_semaphore, #tpu.memory_space<semaphore_mem>>) src(%dma_wait3A_54 : memref<10000x128xf32, #tpu.memory_space<hbm>>) dst(%arg10 : memref<125x128xf32, #tpu.memory_space<vmem>>)
        %add3A_55 = arith.constant 1 : i32
        %add3A_56 = arith.addi %mul3A_20, %add3A_55 : i32
        %dma_start3A_57 = arith.constant 0 : i32
        %dma_start3A_58 = tpu.memref_slice %arg8[%add3A_56, %dma_start3A_57] : memref<40x125xi32, #tpu.memory_space<vmem>> -> memref<1x125xi32, #tpu.memory_space<vmem>>
        %dma_start3A_59 = tpu.memref_squeeze %dma_start3A_58 : memref<1x125xi32, #tpu.memory_space<vmem>> -> memref<125xi32, #tpu.memory_space<vmem>>
        %dma_start3A_60 = arith.constant 0 : i32
        %dma_start3A_61 = arith.constant 0 : i32
        %dma_start3A_62 = tpu.memref_slice %arg11[%dma_start3A_60, %dma_start3A_61] : memref<10240x128xf32, #tpu.memory_space<vmem_shared>> -> memref<10240x128xf32, #tpu.memory_space<vmem_shared>>
        tpu.enqueue_indirect_dma source(%arg10 : memref<125x128xf32, #tpu.memory_space<vmem>>) target(%dma_start3A_62 : memref<10240x128xf32, #tpu.memory_space<vmem_shared>>) offsets(%dma_start3A_59 : memref<125xi32, #tpu.memory_space<vmem>>) semaphore(%arg15 : memref<!tpu.dma_semaphore, #tpu.memory_space<semaphore_mem>>) {add = true}
        %dma_wait3A_63 = arith.constant 0 : i32
        %dma_wait3A_64 = tpu.memref_slice %arg8[%add3A_42, %dma_wait3A_63] : memref<40x125xi32, #tpu.memory_space<vmem>> -> memref<1x125xi32, #tpu.memory_space<vmem>>
        %dma_wait3A_65 = tpu.memref_squeeze %dma_wait3A_64 : memref<1x125xi32, #tpu.memory_space<vmem>> -> memref<125xi32, #tpu.memory_space<vmem>>
        %dma_wait3A_66 = arith.constant 0 : i32
        %dma_wait3A_67 = arith.constant 0 : i32
        %dma_wait3A_68 = tpu.memref_slice %arg11[%dma_wait3A_66, %dma_wait3A_67] : memref<10240x128xf32, #tpu.memory_space<vmem_shared>> -> memref<10240x128xf32, #tpu.memory_space<vmem_shared>>
        tpu.wait_indirect_dma semaphore(%arg14 : memref<!tpu.dma_semaphore, #tpu.memory_space<semaphore_mem>>) src(%arg9 : memref<125x128xf32, #tpu.memory_space<vmem>>) dst(%dma_wait3A_68 : memref<10240x128xf32, #tpu.memory_space<vmem_shared>>)
        %dma_wait3A_69 = arith.constant 0 : i32
        %dma_wait3A_70 = tpu.memref_slice %arg8[%add3A_56, %dma_wait3A_69] : memref<40x125xi32, #tpu.memory_space<vmem>> -> memref<1x125xi32, #tpu.memory_space<vmem>>
        %dma_wait3A_71 = tpu.memref_squeeze %dma_wait3A_70 : memref<1x125xi32, #tpu.memory_space<vmem>> -> memref<125xi32, #tpu.memory_space<vmem>>
        %dma_wait3A_72 = arith.constant 0 : i32
        %dma_wait3A_73 = arith.constant 0 : i32
        %dma_wait3A_74 = tpu.memref_slice %arg11[%dma_wait3A_72, %dma_wait3A_73] : memref<10240x128xf32, #tpu.memory_space<vmem_shared>> -> memref<10240x128xf32, #tpu.memory_space<vmem_shared>>
        tpu.wait_indirect_dma semaphore(%arg15 : memref<!tpu.dma_semaphore, #tpu.memory_space<semaphore_mem>>) src(%arg10 : memref<125x128xf32, #tpu.memory_space<vmem>>) dst(%dma_wait3A_74 : memref<10240x128xf32, #tpu.memory_space<vmem_shared>>)
      }
      %scan3A_17 = arith.constant 20 : i32
    }
    %scan3A_6 = arith.constant 2 : i32
    %barrier3A_7 = arith.constant 0 : index
    tpu.barrier barrier_id(%barrier3A_7)
    %mul3A_8 = arith.constant 640 : i32
    %mul3A_9 = arith.muli %arg1, %mul3A_8 : i32
    %mul3A_10 = arith.constant 640 : i32
    %mul3A_11 = arith.muli %arg1, %mul3A_10 : i32
    "tpu.region"() ({
      %run_scoped3A = tpu.sem_alloc : memref<!tpu.dma_semaphore, #tpu.memory_space<semaphore_mem>>
      %dma_start3A = arith.constant 0 : i32
      %dma_start3A_12 = tpu.memref_slice %arg6[%arg0, %mul3A_11, %dma_start3A] : memref<2x10240x128xf32, #tpu.memory_space<hbm>> -> memref<1x640x128xf32, #tpu.memory_space<hbm>>
      %dma_start3A_13 = tpu.memref_squeeze %dma_start3A_12 : memref<1x640x128xf32, #tpu.memory_space<hbm>> -> memref<640x128xf32, #tpu.memory_space<hbm>>
      %dma_start3A_14 = arith.constant 0 : i32
      %dma_start3A_15 = tpu.memref_slice %arg11[%mul3A_9, %dma_start3A_14] : memref<10240x128xf32, #tpu.memory_space<vmem_shared>> -> memref<640x128xf32, #tpu.memory_space<vmem_shared>>
      tpu.enqueue_dma source(%dma_start3A_15 : memref<640x128xf32, #tpu.memory_space<vmem_shared>>) target(%dma_start3A_13 : memref<640x128xf32, #tpu.memory_space<hbm>>) target_semaphore(%run_scoped3A : memref<!tpu.dma_semaphore, #tpu.memory_space<semaphore_mem>>)
      %dma_wait3A = arith.constant 0 : i32
      %dma_wait3A_16 = tpu.memref_slice %arg6[%arg0, %mul3A_11, %dma_wait3A] : memref<2x10240x128xf32, #tpu.memory_space<hbm>> -> memref<1x640x128xf32, #tpu.memory_space<hbm>>
      %dma_wait3A_17 = tpu.memref_squeeze %dma_wait3A_16 : memref<1x640x128xf32, #tpu.memory_space<hbm>> -> memref<640x128xf32, #tpu.memory_space<hbm>>
      %dma_wait3A_18 = arith.constant 0 : i32
      %dma_wait3A_19 = tpu.memref_slice %arg11[%mul3A_9, %dma_wait3A_18] : memref<10240x128xf32, #tpu.memory_space<vmem_shared>> -> memref<640x128xf32, #tpu.memory_space<vmem_shared>>
      tpu.wait_dma2 semaphore(%run_scoped3A : memref<!tpu.dma_semaphore, #tpu.memory_space<semaphore_mem>>) src(%dma_wait3A_19 : memref<640x128xf32, #tpu.memory_space<vmem_shared>>) dst(%dma_wait3A_17 : memref<640x128xf32, #tpu.memory_space<hbm>>)
      tpu.yield
    }) : () -> ()
    return
  }
}

module attributes {stable_mosaic.version = 14 : i64} {
  func.func @body(%arg0: memref<10000x128xf32, #tpu.memory_space<vmem>>, %arg1: memref<2x10240x128xf32, #tpu.memory_space<vmem>>, %arg2: memref<128x128xf32, #tpu.memory_space<vmem>>, %arg3: memref<1x128xf32, #tpu.memory_space<vmem>>, %arg4: memref<1x128xf32, #tpu.memory_space<vmem>>, %arg5: memref<1x128xf32, #tpu.memory_space<vmem>>, %arg6: memref<128x128xf32, #tpu.memory_space<vmem>>, %arg7: memref<1x128xf32, #tpu.memory_space<vmem>>, %arg8: memref<1x128xf32, #tpu.memory_space<vmem>>, %arg9: memref<1x128xf32, #tpu.memory_space<vmem>>, %arg10: memref<1x128xf32, #tpu.memory_space<vmem>>, %arg11: memref<1x128xf32, #tpu.memory_space<vmem>>, %arg12: memref<10000x128xf32, #tpu.memory_space<vmem>>) attributes {dimension_semantics = [], scalar_prefetch = 0 : i64, scratch_operands = 0 : i64, tpu.core_type = #tpu.core_type<tc>} {
    %get3A = arith.constant 0 : index
    %get3A_0 = arith.constant 0 : index
    %get3A_1 = vector.load %arg0[%get3A, %get3A_0] : memref<10000x128xf32, #tpu.memory_space<vmem>>, vector<10000x128xf32>
    %get3A_2 = arith.constant 0 : index
    %get3A_3 = arith.constant 0 : index
    %get3A_4 = arith.constant 0 : index
    %get3A_5 = vector.load %arg1[%get3A_2, %get3A_3, %get3A_4] : memref<2x10240x128xf32, #tpu.memory_space<vmem>>, vector<1x10000x128xf32>
    %get3A_6 = vector.shape_cast %get3A_5 : vector<1x10000x128xf32> to vector<10000x128xf32>
    %add3A = arith.addf %get3A_1, %get3A_6 : vector<10000x128xf32>
    %get3A_7 = arith.constant 1 : index
    %get3A_8 = arith.constant 0 : index
    %get3A_9 = arith.constant 0 : index
    %get3A_10 = vector.load %arg1[%get3A_7, %get3A_8, %get3A_9] : memref<2x10240x128xf32, #tpu.memory_space<vmem>>, vector<1x10000x128xf32>
    %get3A_11 = vector.shape_cast %get3A_10 : vector<1x10000x128xf32> to vector<10000x128xf32>
    %add3A_12 = arith.addf %add3A, %get3A_11 : vector<10000x128xf32>
    %get3A_13 = arith.constant 0 : index
    %get3A_14 = arith.constant 0 : index
    %get3A_15 = vector.load %arg2[%get3A_13, %get3A_14] : memref<128x128xf32, #tpu.memory_space<vmem>>, vector<128x128xf32>
    %dot_general3A = arith.constant dense<0.000000e+00> : vector<10000x128xf32>
    %dot_general3A_16 = tpu.matmul %add3A_12, %get3A_15, %dot_general3A {dimension_numbers = #tpu.dot_dimension_numbers<[1], [1], [0], [0], [0, 0, 1, 0], [], []>, transpose_lhs_hint = false} : vector<10000x128xf32>, vector<128x128xf32>, vector<10000x128xf32> -> vector<10000x128xf32>
    %get3A_17 = arith.constant 0 : index
    %get3A_18 = arith.constant 0 : index
    %get3A_19 = vector.load %arg3[%get3A_17, %get3A_18] : memref<1x128xf32, #tpu.memory_space<vmem>>, vector<1x128xf32>
    %add3A_20 = vector.broadcast %get3A_19 : vector<1x128xf32> to vector<10000x128xf32>
    %add3A_21 = arith.addf %dot_general3A_16, %add3A_20 : vector<10000x128xf32>
    %reduce_sum3A = arith.constant dense<0.000000e+00> : vector<128xf32>
    %reduce_sum3A_22 = vector.multi_reduction <add>, %add3A_21, %reduce_sum3A [0] : vector<10000x128xf32> to vector<128xf32>
    %broadcast_in_dim3A = vector.shape_cast %reduce_sum3A_22 : vector<128xf32> to vector<1x128xf32>
    %div3A = arith.constant 1.000000e+04 : f32
    %div3A_23 = vector.broadcast %div3A : f32 to vector<1x128xf32>
    %div3A_24 = arith.divf %broadcast_in_dim3A, %div3A_23 : vector<1x128xf32>
    %sub3A = vector.broadcast %div3A_24 : vector<1x128xf32> to vector<10000x128xf32>
    %sub3A_25 = arith.subf %add3A_21, %sub3A : vector<10000x128xf32>
    %square3A = arith.mulf %sub3A_25, %sub3A_25 : vector<10000x128xf32>
    %reduce_sum3A_26 = arith.constant dense<0.000000e+00> : vector<128xf32>
    %reduce_sum3A_27 = vector.multi_reduction <add>, %square3A, %reduce_sum3A_26 [0] : vector<10000x128xf32> to vector<128xf32>
    %broadcast_in_dim3A_28 = vector.shape_cast %reduce_sum3A_27 : vector<128xf32> to vector<1x128xf32>
    %div3A_29 = arith.constant 1.000000e+04 : f32
    %div3A_30 = vector.broadcast %div3A_29 : f32 to vector<1x128xf32>
    %div3A_31 = arith.divf %broadcast_in_dim3A_28, %div3A_30 : vector<1x128xf32>
    %sub3A_32 = vector.broadcast %div3A_24 : vector<1x128xf32> to vector<10000x128xf32>
    %sub3A_33 = arith.subf %add3A_21, %sub3A_32 : vector<10000x128xf32>
    %add3A_34 = arith.constant 9.99999974E-6 : f32
    %add3A_35 = vector.broadcast %add3A_34 : f32 to vector<1x128xf32>
    %add3A_36 = arith.addf %div3A_31, %add3A_35 : vector<1x128xf32>
    %rsqrt3A = math.rsqrt %add3A_36 : vector<1x128xf32>
    %mul3A = vector.broadcast %rsqrt3A : vector<1x128xf32> to vector<10000x128xf32>
    %mul3A_37 = arith.mulf %sub3A_33, %mul3A : vector<10000x128xf32>
    %get3A_38 = arith.constant 0 : index
    %get3A_39 = arith.constant 0 : index
    %get3A_40 = vector.load %arg4[%get3A_38, %get3A_39] : memref<1x128xf32, #tpu.memory_space<vmem>>, vector<1x128xf32>
    %mul3A_41 = vector.broadcast %get3A_40 : vector<1x128xf32> to vector<10000x128xf32>
    %mul3A_42 = arith.mulf %mul3A_37, %mul3A_41 : vector<10000x128xf32>
    %get3A_43 = arith.constant 0 : index
    %get3A_44 = arith.constant 0 : index
    %get3A_45 = vector.load %arg5[%get3A_43, %get3A_44] : memref<1x128xf32, #tpu.memory_space<vmem>>, vector<1x128xf32>
    %add3A_46 = vector.broadcast %get3A_45 : vector<1x128xf32> to vector<10000x128xf32>
    %add3A_47 = arith.addf %mul3A_42, %add3A_46 : vector<10000x128xf32>
    %max3A = arith.constant 0.000000e+00 : f32
    %max3A_48 = vector.broadcast %max3A : f32 to vector<10000x128xf32>
    %max3A_49 = arith.maximumf %add3A_47, %max3A_48 : vector<10000x128xf32>
    %get3A_50 = arith.constant 0 : index
    %get3A_51 = arith.constant 0 : index
    %get3A_52 = vector.load %arg6[%get3A_50, %get3A_51] : memref<128x128xf32, #tpu.memory_space<vmem>>, vector<128x128xf32>
    %dot_general3A_53 = arith.constant dense<0.000000e+00> : vector<10000x128xf32>
    %dot_general3A_54 = tpu.matmul %max3A_49, %get3A_52, %dot_general3A_53 {dimension_numbers = #tpu.dot_dimension_numbers<[1], [1], [0], [0], [0, 0, 1, 0], [], []>, transpose_lhs_hint = false} : vector<10000x128xf32>, vector<128x128xf32>, vector<10000x128xf32> -> vector<10000x128xf32>
    %get3A_55 = arith.constant 0 : index
    %get3A_56 = arith.constant 0 : index
    %get3A_57 = vector.load %arg7[%get3A_55, %get3A_56] : memref<1x128xf32, #tpu.memory_space<vmem>>, vector<1x128xf32>
    %add3A_58 = vector.broadcast %get3A_57 : vector<1x128xf32> to vector<10000x128xf32>
    %add3A_59 = arith.addf %dot_general3A_54, %add3A_58 : vector<10000x128xf32>
    %reduce_sum3A_60 = arith.constant dense<0.000000e+00> : vector<128xf32>
    %reduce_sum3A_61 = vector.multi_reduction <add>, %add3A_59, %reduce_sum3A_60 [0] : vector<10000x128xf32> to vector<128xf32>
    %broadcast_in_dim3A_62 = vector.shape_cast %reduce_sum3A_61 : vector<128xf32> to vector<1x128xf32>
    %div3A_63 = arith.constant 1.000000e+04 : f32
    %div3A_64 = vector.broadcast %div3A_63 : f32 to vector<1x128xf32>
    %div3A_65 = arith.divf %broadcast_in_dim3A_62, %div3A_64 : vector<1x128xf32>
    %sub3A_66 = vector.broadcast %div3A_65 : vector<1x128xf32> to vector<10000x128xf32>
    %sub3A_67 = arith.subf %add3A_59, %sub3A_66 : vector<10000x128xf32>
    %square3A_68 = arith.mulf %sub3A_67, %sub3A_67 : vector<10000x128xf32>
    %reduce_sum3A_69 = arith.constant dense<0.000000e+00> : vector<128xf32>
    %reduce_sum3A_70 = vector.multi_reduction <add>, %square3A_68, %reduce_sum3A_69 [0] : vector<10000x128xf32> to vector<128xf32>
    %broadcast_in_dim3A_71 = vector.shape_cast %reduce_sum3A_70 : vector<128xf32> to vector<1x128xf32>
    %div3A_72 = arith.constant 1.000000e+04 : f32
    %div3A_73 = vector.broadcast %div3A_72 : f32 to vector<1x128xf32>
    %div3A_74 = arith.divf %broadcast_in_dim3A_71, %div3A_73 : vector<1x128xf32>
    %sub3A_75 = vector.broadcast %div3A_65 : vector<1x128xf32> to vector<10000x128xf32>
    %sub3A_76 = arith.subf %add3A_59, %sub3A_75 : vector<10000x128xf32>
    %add3A_77 = arith.constant 9.99999974E-6 : f32
    %add3A_78 = vector.broadcast %add3A_77 : f32 to vector<1x128xf32>
    %add3A_79 = arith.addf %div3A_74, %add3A_78 : vector<1x128xf32>
    %rsqrt3A_80 = math.rsqrt %add3A_79 : vector<1x128xf32>
    %mul3A_81 = vector.broadcast %rsqrt3A_80 : vector<1x128xf32> to vector<10000x128xf32>
    %mul3A_82 = arith.mulf %sub3A_76, %mul3A_81 : vector<10000x128xf32>
    %get3A_83 = arith.constant 0 : index
    %get3A_84 = arith.constant 0 : index
    %get3A_85 = vector.load %arg8[%get3A_83, %get3A_84] : memref<1x128xf32, #tpu.memory_space<vmem>>, vector<1x128xf32>
    %mul3A_86 = vector.broadcast %get3A_85 : vector<1x128xf32> to vector<10000x128xf32>
    %mul3A_87 = arith.mulf %mul3A_82, %mul3A_86 : vector<10000x128xf32>
    %get3A_88 = arith.constant 0 : index
    %get3A_89 = arith.constant 0 : index
    %get3A_90 = vector.load %arg9[%get3A_88, %get3A_89] : memref<1x128xf32, #tpu.memory_space<vmem>>, vector<1x128xf32>
    %add3A_91 = vector.broadcast %get3A_90 : vector<1x128xf32> to vector<10000x128xf32>
    %add3A_92 = arith.addf %mul3A_87, %add3A_91 : vector<10000x128xf32>
    %max3A_93 = arith.constant 0.000000e+00 : f32
    %max3A_94 = vector.broadcast %max3A_93 : f32 to vector<10000x128xf32>
    %max3A_95 = arith.maximumf %add3A_92, %max3A_94 : vector<10000x128xf32>
    %add3A_96 = arith.addf %max3A_95, %get3A_1 : vector<10000x128xf32>
    %reduce_sum3A_97 = arith.constant dense<0.000000e+00> : vector<10000xf32>
    %reduce_sum3A_98 = vector.multi_reduction <add>, %add3A_96, %reduce_sum3A_97 [1] : vector<10000x128xf32> to vector<10000xf32>
    %broadcast_in_dim3A_99 = vector.shape_cast %reduce_sum3A_98 : vector<10000xf32> to vector<10000x1xf32>
    %div3A_100 = arith.constant 1.280000e+02 : f32
    %div3A_101 = vector.broadcast %div3A_100 : f32 to vector<10000x1xf32>
    %div3A_102 = arith.divf %broadcast_in_dim3A_99, %div3A_101 : vector<10000x1xf32>
    %sub3A_103 = vector.broadcast %div3A_102 : vector<10000x1xf32> to vector<10000x128xf32>
    %sub3A_104 = arith.subf %add3A_96, %sub3A_103 : vector<10000x128xf32>
    %square3A_105 = arith.mulf %sub3A_104, %sub3A_104 : vector<10000x128xf32>
    %reduce_sum3A_106 = arith.constant dense<0.000000e+00> : vector<10000xf32>
    %reduce_sum3A_107 = vector.multi_reduction <add>, %square3A_105, %reduce_sum3A_106 [1] : vector<10000x128xf32> to vector<10000xf32>
    %broadcast_in_dim3A_108 = vector.shape_cast %reduce_sum3A_107 : vector<10000xf32> to vector<10000x1xf32>
    %div3A_109 = arith.constant 1.280000e+02 : f32
    %div3A_110 = vector.broadcast %div3A_109 : f32 to vector<10000x1xf32>
    %div3A_111 = arith.divf %broadcast_in_dim3A_108, %div3A_110 : vector<10000x1xf32>
    %sub3A_112 = vector.broadcast %div3A_102 : vector<10000x1xf32> to vector<10000x128xf32>
    %sub3A_113 = arith.subf %add3A_96, %sub3A_112 : vector<10000x128xf32>
    %add3A_114 = arith.constant 9.99999974E-6 : f32
    %add3A_115 = vector.broadcast %add3A_114 : f32 to vector<10000x1xf32>
    %add3A_116 = arith.addf %div3A_111, %add3A_115 : vector<10000x1xf32>
    %rsqrt3A_117 = math.rsqrt %add3A_116 : vector<10000x1xf32>
    %mul3A_118 = vector.broadcast %rsqrt3A_117 : vector<10000x1xf32> to vector<10000x128xf32>
    %mul3A_119 = arith.mulf %sub3A_113, %mul3A_118 : vector<10000x128xf32>
    %get3A_120 = arith.constant 0 : index
    %get3A_121 = arith.constant 0 : index
    %get3A_122 = vector.load %arg10[%get3A_120, %get3A_121] : memref<1x128xf32, #tpu.memory_space<vmem>>, vector<1x128xf32>
    %mul3A_123 = vector.broadcast %get3A_122 : vector<1x128xf32> to vector<10000x128xf32>
    %mul3A_124 = arith.mulf %mul3A_119, %mul3A_123 : vector<10000x128xf32>
    %get3A_125 = arith.constant 0 : index
    %get3A_126 = arith.constant 0 : index
    %get3A_127 = vector.load %arg11[%get3A_125, %get3A_126] : memref<1x128xf32, #tpu.memory_space<vmem>>, vector<1x128xf32>
    %add3A_128 = vector.broadcast %get3A_127 : vector<1x128xf32> to vector<10000x128xf32>
    %add3A_129 = arith.addf %mul3A_124, %add3A_128 : vector<10000x128xf32>
    %swap3A = arith.constant 0 : index
    %swap3A_130 = arith.constant 0 : index
    %swap3A_131 = vector.load %arg12[%swap3A, %swap3A_130] : memref<10000x128xf32, #tpu.memory_space<vmem>>, vector<10000x128xf32>
    tpu.vector_store %arg12[%swap3A, %swap3A_130], %add3A_129 {strides = array<i32>} : memref<10000x128xf32, #tpu.memory_space<vmem>>, vector<10000x128xf32>,
    return
  }
}

</mosaic_0001>

<sc_bundles>
// kernel: kernel.4.cloned.1.call-start
scs
__scs_entry_jumppad:
0x0: {  	(pc) =	sbr.rel $0x88, $3  }
0x1: {  	(tag) =	ssettag $0x0;
	lr =	simm.s32 $0x1  }
0x2: {  	[smem:$0x3F95] =	sst lr;
	_ =	strace $0xD0000000  }
0x3: {  	_ = 	snop  }
0x4: {  	_ = 	snop  }
0x5: {  	_ = 	snop  }
0x6: {  	_ = 	snop  }
0x7: {  	_ = 	snop  }
__scs_overlays_trampoline_lowered:
0x8: {  	[smem:$0x3FA4] =	sst s0  }
0x9: {  	[smem:$0x3FA5] =	sst s1  }
0xa: {  	[smem:$0x3FA6] =	sst s2  }
0xb: {  	[smem:$0x3FA7] =	sst s3  }
0xc: {  	[smem:$0x3FA8] =	sst s4  }
0xd: {  	[smem:$0x3FA9] =	sst s5  }
0xe: {  	[smem:$0x3FAA] =	sst s6  }
0xf: {  	[smem:$0x3FAB] =	sst s7  }
0x10: {  	[smem:$0x3FAC] =	sst s8  }
0x11: {  	[smem:$0x3FAD] =	sst s9;
	s0 =	simm.s32 @!p0 $0x0  }
0x12: {  	s1 =	sld [smem:$0x3F93];
	s0 =	simm.s32 @p0 $0x1  }
0x13: {  	[smem:$0x3FAE] =	sst s0;
	s0 =	simm.s32 @!p1 $0x0  }
0x14: {  	s2 =	sld [smem:$0x3F92];
	s0 =	simm.s32 @p1 $0x1  }
0x15: {  	[smem:$0x3FAF] =	sst s0;
	s0 =	simm.s32 @!p2 $0x0  }
0x16: {  	s3 =	sld [smem:$0x3FDB];
	s0 =	simm.s32 @p2 $0x1  }
0x17: {  	s4 =	simm.s32 $0x1BF5;
	[smem:$0x3FB1] =	sst s0  }
0x18: {  	s0 =	sld [smem:$0x3F94];
	_ =	swait.ge [sflag:s4], $0x0  }
0x19: {  	s7 =	sld [smem:$0x3F95]  }
0x1a: {  	s8 =	sadd.s32 $0xFFFFE003, lr  }
0x1b: {  	s9 =	sadd.s32 $0xFFFFFEF7, lr;
	s5 =	simm.s32 $0xFFFFFFFF;
	p2 =	slt.u32 s8, $0xFFFFF086  }
0x1c: {  	p1 =	slt.u32 s9, $0xF7A;
	s5 =	simm.s32 @!p2 $0x0  }
0x1d: {  	s5 =	simm.s32 @p1 $0x1;
	p0 =	seq.s32 s7, s2  }
0x1e: {  	s7 =	smul.u32 @!p0 $0xF7A, s2;
	p2 =	seq.s32 @!p0 s5, $0x0  }
0x1f: {  	s9 =	smul.u32 $0xF7A, s1;
	s8 =	simm.s32 @!p0 $0x1BF5;
	p2 =	por !p2, p0  }
0x20: {  	[sflag:s8] =	ssyncset.s32 @!p0 $0xFFFFF086;
	s6 =	sadd.s32 @!p0 s3, s7;
	s7 =	simm.s32 @!p0 $0x108  }
0x21: {  	s3 =	sadd.s32 s3, s9;
	s6 =	sadd.s32 @!p0 $0x88, s6;
	s7 =	simm.s32 @p2 $0x1082  }
0x22: {  	[simem:s7], [sflag:s8] =	dma.local @!p0 [hbm:s6], $0xF7A  }
0x23: {  	s9 =	sor.u32 $0xD0000000, s2;
	s6 =	simm.s32 $0x108;
	_ =	swait.ge @!p0 [sflag:s8], $0x0  }
0x24: {  	s3 =	sadd.s32 $0x88, s3;
	s6 =	simm.s32 @!p1 $0x1082;
	[sflag:s4] =	ssyncset.s32 $0xFFFFF086  }
0x25: {  	[simem:s6], [sflag:s4] =	dma.local [hbm:s3], $0xF7A  }
0x26: {  	[smem:$0x3F95] =	sst s1;
	(tag) =	ssettag s2;
	_ =	strace s9  }
0x27: {  	s1 =	sld [smem:$0x3FA5]  }
0x28: {  	s2 =	sld [smem:$0x3FA6]  }
0x29: {  	s4 =	sld [smem:$0x3FA8]  }
0x2a: {  	p0 =	seq.s32 s5, $0x0;
	s5 =	sld [smem:$0x3FA9]  }
0x2b: {  	s6 =	sld [smem:$0x3FAA]  }
0x2c: {  	s7 =	sld [smem:$0x3FAB]  }
0x2d: {  	s3 =	simm.s32 $0x108;
	s8 =	sld [smem:$0x3FAC]  }
0x2e: {  	s3 =	simm.s32 @!p0 $0x1082;
	s9 =	sld [smem:$0x3FAD]  }
0x2f: {  	lr =	sadd.s32 s0, s3;
	s0 =	sld [smem:$0x3FA4]  }
0x30: {  	s3 =	sld [smem:$0x3FA7]  }
0x31: {  	[smem:$0x3FB0] =	sst s10  }
0x32: {  	s10 =	sld [smem:$0x3FAE];
	_ =	sdelay $0x3  }
0x33: {  	p0 =	seq.s32 s10, $0x1;
	s10 =	sld [smem:$0x3FB0];
	_ =	sdelay $0x3  }
0x34: {  	[smem:$0x3FB0] =	sst s10  }
0x35: {  	s10 =	sld [smem:$0x3FAF];
	_ =	sdelay $0x3  }
0x36: {  	p1 =	seq.s32 s10, $0x1;
	s10 =	sld [smem:$0x3FB0];
	_ =	sdelay $0x3  }
0x37: {  	[smem:$0x3FB0] =	sst s10  }
0x38: {  	s10 =	sld [smem:$0x3FB1]  }
0x39: {  	_ = 	snop;
	(pc) =	sbr.ind lr, $3  }
0x3a: {  	_ = 	snop  }
0x3b: {  	_ = 	snop  }
0x3c: {  	p2 =	seq.s32 s10, $0x1;
	s10 =	sld [smem:$0x3FB0]  }
0x3d: {  	_ =	shalt  }
0x3e: {  	_ =	shalt  }
0x3f: {  	_ =	shalt  }
0x40: {  	_ =	shalt  }
0x41: {  	_ =	shalt  }
0x42: {  	_ =	shalt  }
0x43: {  	_ =	shalt  }
0x44: {  	_ =	shalt  }
0x45: {  	_ =	shalt  }
0x46: {  	_ =	shalt  }
0x47: {  	_ =	shalt  }
0x48: {  	_ =	shalt  }
0x49: {  	_ =	shalt  }
0x4a: {  	_ =	shalt  }
0x4b: {  	_ =	shalt  }
0x4c: {  	_ =	shalt  }
0x4d: {  	_ =	shalt  }
0x4e: {  	_ =	shalt  }
0x4f: {  	_ =	shalt  }
0x50: {  	_ =	shalt  }
0x51: {  	_ =	shalt  }
0x52: {  	_ =	shalt  }
0x53: {  	_ =	shalt  }
0x54: {  	_ =	shalt  }
0x55: {  	_ =	shalt  }
0x56: {  	_ =	shalt  }
0x57: {  	_ =	shalt  }
0x58: {  	_ =	shalt  }
0x59: {  	_ =	shalt  }
0x5a: {  	_ =	shalt  }
0x5b: {  	_ =	shalt  }
0x5c: {  	_ =	shalt  }
0x5d: {  	_ =	shalt  }
0x5e: {  	_ =	shalt  }
0x5f: {  	_ =	shalt  }
0x60: {  	_ =	shalt  }
0x61: {  	_ =	shalt  }
0x62: {  	_ =	shalt  }
0x63: {  	_ =	shalt  }
0x64: {  	_ =	shalt  }
0x65: {  	_ =	shalt  }
0x66: {  	_ =	shalt  }
0x67: {  	_ =	shalt  }
0x68: {  	_ =	shalt  }
0x69: {  	_ =	shalt  }
0x6a: {  	_ =	shalt  }
0x6b: {  	_ =	shalt  }
0x6c: {  	_ =	shalt  }
0x6d: {  	_ =	shalt  }
0x6e: {  	_ =	shalt  }
0x6f: {  	_ =	shalt  }
0x70: {  	_ =	shalt  }
0x71: {  	_ =	shalt  }
0x72: {  	_ =	shalt  }
0x73: {  	_ =	shalt  }
0x74: {  	_ =	shalt  }
0x75: {  	_ =	shalt  }
0x76: {  	_ =	shalt  }
0x77: {  	_ =	shalt  }
0x78: {  	_ =	shalt  }
0x79: {  	_ =	shalt  }
0x7a: {  	_ =	shalt  }
0x7b: {  	_ =	shalt  }
0x7c: {  	_ =	shalt  }
0x7d: {  	_ =	shalt  }
0x7e: {  	_ =	shalt  }
0x7f: {  	_ =	shalt  }
0x80: {  	_ =	shalt  }
0x81: {  	_ =	shalt  }
0x82: {  	_ =	shalt  }
0x83: {  	_ =	shalt  }
0x84: {  	_ =	shalt  }
0x85: {  	_ =	shalt  }
0x86: {  	_ =	shalt  }
0x87: {  	_ =	shalt  }
.Lfunc_end0:
.L_simem_size_0:
called_computation_lowered:
.L_overlay_start_0:
0x88: {  	s2 =	sld [smem:$0x3FD9]  }
0x89: {  	s3 =	sld [smem:$0x3FFE];
	_ =	sdelay $0x1  }
0x8a: {  	s1 =	srdreg.scid  }
0x8b: {  	s0 =	sand.u32 $0x1, s1  }
0x8c: {  	s17 =	sshll.u32 s0, $0xA;
	s2 =	sadd.s32 s3, s2  }
0x8d: {  	s2 =	sadd.s32 s2, s17  }
0x8e: {  	[smem:$0x3FBC] =	sst s2  }
0x8f: {  	_ = 	snop  }
0x90: {  	s2 =	sld [smem:$0x3FC9]  }
0x91: {  	s18 =	sld [smem:$0x3FD0];
	(tm) =	ssettm $0x1  }
0x92: {  	s4 =	sld [smem:$0x3FFB];
	_ =	sdelay $0x3  }
0x93: {  	_ =	strace s4  }
0x94: {  	s4 =	sld [smem:$0x3FFC];
	_ =	sdelay $0x3  }
0x95: {  	_ =	strace s4  }
0x96: {  	s4 =	sld [smem:$0x3FFD];
	_ =	sdelay $0x3  }
0x97: {  	_ =	strace s4  }
0x98: {  	_ =	strace $0x8FFFFFFF  }
0x99: {  	s19 =	sld [smem:$0x3FDB];
	_ =	sdelay $0x1  }
0x9a: {  	s5 =	simm.s32 $_scs_section_size  }
0x9b: {  	s6 =	simm.s32 $_size__tile_overlayer_lowered;
	s7 =	simm.s32 $_tile_overlayer_lowered  }
0x9c: {  	s22 =	simm.s32 $0x1BFF;
	s21 =	sshll.u32 s7, $0x1;
	s4 =	sadd.s32 s5, s19  }
0x9d: {  	s8 =	simm.s32 $0x0;
	s20 =	sshll.u32 s6, $0x1;
	s6 =	sadd.s32 s21, s4  }
0x9e: {  	[timem:s8], [sflag:s22] =	dma.local [hbm:s6], s20  }
0x9f: {  	_ =	swait.ge [sflag:s22], s20  }
0xa0: {  	s5 =	ssub.s32 $0x0, s20;
	[sflag:s22] =	ssyncset.done $0x0  }
0xa1: {  	[sflag:s22] =	ssyncadd.s32 s5;
	_ =	sdelay $0x1  }
0xa2: {  	s23 =	simm.s32 $0x1B8B  }
0xa3: {  	_ =	swait.ge [sflag:s23], $0x1  }
0xa4: {  	[sflag:s23] =	ssyncset.done $0x0  }
0xa5: {  	s25 =	simm.s32 $0x1B8E;
	s24 =	sld [smem:$0x3FFE];
	[sflag:s23] =	ssyncadd.s32 $0xFFFFFFFF  }
0xa6: {  	s26 =	simm.s32 $execute0_lowered;
	[smem:$0x3FD2] =	sst s25  }
0xa7: {  	s6 =	sshll.u32 s26, $0x1;
	_ =	strace $0x80000046;
	[dreg:$0x1] =	wrdreg $0xFFFFFFFF  }
0xa8: {  	s28 =	simm.s32 $_size_execute0_lowered;
	s4 =	sadd.s32 s4, s6;
	[dreg:$0x0] =	wrdreg $0x0  }
0xa9: {  	s6 =	sshll.u32 s28, $0x1;
	[dreg:$0x2] =	wrdreg s4  }
0xaa: {  	[dreg:$0x3] =	wrdreg s6  }
0xab: {  	[dreg:$0x4] =	wrdreg $0xC0  }
0xac: {  	_ =	task [dreg:s8], $0x5FFFF  }
0xad: {  	[dreg:$0x1] =	wrdreg $0xFFFFFFFF  }
0xae: {  	[dreg:$0x0] =	wrdreg $0x60  }
0xaf: {  	[dreg:$0x2] =	wrdreg s2  }
0xb0: {  	[dreg:$0x3] =	wrdreg s18  }
0xb1: {  	[dreg:$0x4] =	wrdreg s24  }
0xb2: {  	[dreg:$0x5] =	wrdreg $0xA8000  }
0xb3: {  	[dreg:$0x6] =	wrdreg $0x9  }
0xb4: {  	_ =	task.clear_ibuf [dreg:s8], $0x7FFFF;
	_ =	strace $0x90000046  }
0xb5: {  	s29 =	simm.s32 $0x9;
	_ =	strace $0x80000048  }
0xb6: {  	_ =	swait.ge [sflag:s29], $0x1  }
0xb7: {  	[sflag:s29] =	ssyncadd.s32 $0xFFFFFFFF  }
0xb8: {  	_ =	strace $0x90000048  }
0xb9: {  	_ =	sfence  }
0xba: {  	s30 =	sld [smem:$0x0];
	_ =	sdelay $0x2  }
0xbb: {  	s31 =	sshll.u32 s1, $0xD;
	s1 =	sshrl.u32 s1, $0x2  }
0xbc: {  	s3 =	sand.u32 $0x4000, s31;
	s1 =	sadd.s32 s1, s30  }
0xbd: {  	s0 =	sor.u32 s3, s0;
	s1 =	sshll.u32 s1, $0x11  }
0xbe: {  	s0 =	sor.u32 s1, s0  }
0xbf: {  	s0 =	sadd.s32 $0x8F2B, s0  }
0xc0: {  	[sflag:s0] =	ssyncadd.remote.s32 $0x1  }
0xc1: {  	_ =	sfence.sel $0xFFFF  }
0xc2: {  	[dreg:$0x0] =	wrdreg $0xFFFFFFFF;
	(pc) =	sbr.abs _section_cstart, $3  }
0xc3: {  	[dreg:$0x1] =	wrdreg $0xFFFFFFFF  }
0xc4: {  	_ =	task.clear_ibuf [dreg:s8], $0x2FFFF;
	_ =	strace $0x9FFFFFFF  }
0xc5: {  	(tm) =	ssettm $0x7FFFFFFF  }
tec
execute0_lowered:
.L_overlay_start_1:
0x0: {  	(tag) =	ssettag $0x1  }
0x1: {  	s0 =	rddreg [dreg:$0x0]  }
0x2: {  	s11 =	rddreg [dreg:$0x1]  }
0x3: {  	s6 =	rddreg [dreg:$0x2];
	s1 =	srdreg.scid  }
0x4: {  	s3 =	rddreg [dreg:$0x3];
	s2 =	stileid.u32  }
0x5: {  	s4 =	simm.s32 $0x0;
	s16 =	simm.s32 $0x7D;
	s17 =	simm.s32 $0x2800  }
0x6: {  	s18 =	simm.s32 $0x6800;
	s19 =	simm.s32 $0x1;
	s20 =	simm.s32 $0x2  }
0x7: {  	s21 =	simm.s32 $0x3;
	s22 =	simm.s32 $0x4;
	s23 =	simm.s32 $0x0  }
0x8: {  	s7 =	sand.u32 $0x1, s1;
	s1 =	rddreg [dreg:$0x4];
	s8 =	smul.u32 $0x14000, s2  }
0x9: {  	[smem:$0x7FF] =	sst s4;
	s12 =	sadd.s32 $0x1A00, s6;
	s28 =	smul.u32 $0x50000, s2  }
0xa: {  	s9 =	sshll.u32 s2, $0x1;
	s31 =	sshll.u32 s2, $0x6;
	s5 =	smul.u32 $0x140000, s7  }
0xb: {  	_ =	strace $0x80000047;
	s10 =	ssub.s32 $0x2, s7;
	s7 =	sor.u32 s7, s9  }
0xc: {  	s29 =	sshrl.u32 s10, $0x1;
	s7 =	smul.u32 $0x2800, s7;
	s30 =	sshrl.u32 s28, $0x2  }
0xd: {  	s8 =	sadd.s32 s8, s5;
	s5 =	sadd.s32 $0xBA00, s6;
	s10 =	ssub.s32 s10, s29  }
0xe: {  	s13 =	sadd.s32 s30, s3;
	s8 =	sshrl.u32 s8, $0x3;
	s14 =	sshrl.u32 s7, $0x3  }
0xf: {  	s13 =	sshrl.u32 s13, $0x3;
	s8 =	sadd.s32 s8, s6;
	s6 =	sor.u32 $0x1C05, s31  }
0x10: {  	s15 =	sadd.s32 $0x280, s14;
	s9 =	sadd.s32 s11, s14;
	s7 =	sadd.s32 $0xE200, s8  }
0x11: {  	s8 =	smax.u32 s10, $0x1;
	s10 =	sadd.s32 s12, s14;
	s11 =	sadd.s32 s11, s15  }
0x12: {  	s12 =	sadd.s32 s12, s15;
	s14 =	simm.s32 $0x5;
	s15 =	simm.s32 $0x1400  }
.LBB2_1:
0x13: {  	[spmem:s13], [sflag:s6] =	dma.local [hbm:s5], $0x2800  }
0x14: {  	_ =	swait.ge [sflag:s14], $0x2800  }
0x15: {  	[sflag:s14] =	ssyncset.done $0x0  }
0x16: {  	[sflag:s14] =	ssyncadd.s32 $0xFFFFD800  }
0x17: {  	[bflag:$0x0] =	sbarrier.arrive $0xFFFF  }
0x18: {  	[tilespmem:s4], [sflag:$0x5] =	stream.linear.gather [hbm4b:s9+s4], $0x1400, $0x38;
	[tilespmem:$0x1E800] =	vst v63  }
0x19: {  	_ =	swait.ge [sflag:s14], $0x1400  }
0x1a: {  	[sflag:s14] =	ssyncset.done $0x0  }
0x1b: {  	[sflag:s14] =	ssyncadd.s32 $0xFFFFEC00  }
0x1c: {  	[tilespmem:s15], [sflag:$0x5] =	stream.linear.gather [hbm4b:s10+s4], $0x1400, $0x38;
	[tilespmem:$0x1E800] =	vst v63  }
0x1d: {  	_ =	swait.ge [sflag:s14], $0x1400  }
0x1e: {  	[sflag:s14] =	ssyncset.done $0x0  }
0x1f: {  	s24 =	simm.s32 $0x0;
	[sflag:s14] =	ssyncadd.s32 $0xFFFFEC00  }
0x20: {  	[tilespmem:s17], [sflag:$0x1] =	stream.indirect.gather [hbm4b:s0+s16], $0x80, s24, s16, $0xb8;
	[tilespmem:$0x1E800] =	vst v63  }
0x21: {  	s29 =	simm.s32 $0x80  }
0x22: {  	[tilespmem:s18], [sflag:$0x2] =	stream.indirect.gather [hbm4b:s0+s16], $0x80, s29, s16, $0xb8;
	[tilespmem:$0x1E800] =	vst v63  }
0x23: {  	_ =	swait.ge [sflag:s19], $0x3E80  }
0x24: {  	[sflag:s19] =	ssyncset.done $0x0  }
0x25: {  	s30 =	simm.s32 $0x1400;
	[sflag:s19] =	ssyncadd.s32 $0xFFFFC180  }
0x26: {  	[spmem:s3] =	stream.indirect.scatter.add.f32 [tilespmem:s17], [sflag:$0x3], $0x80, s30, s16, $0xb8;
	[tilespmem:$0x1E800] =	vst v63  }
0x27: {  	_ =	swait.ge [sflag:s20], $0x3E80  }
0x28: {  	[sflag:s20] =	ssyncset.done $0x0  }
0x29: {  	s31 =	simm.s32 $0x1480;
	[sflag:s20] =	ssyncadd.s32 $0xFFFFC180  }
0x2a: {  	[spmem:s3] =	stream.indirect.scatter.add.f32 [tilespmem:s18], [sflag:$0x4], $0x80, s31, s16, $0xb8;
	[tilespmem:$0x1E800] =	vst v63  }
0x2b: {  	_ =	swait.ge [sflag:s21], $0x3E80  }
0x2c: {  	[sflag:s21] =	ssyncset.done $0x0  }
0x2d: {  	[sflag:s21] =	ssyncadd.s32 $0xFFFFC180  }
0x2e: {  	_ =	swait.ge [sflag:s22], $0x3E80  }
0x2f: {  	s25 =	simm.s32 $0x800;
	s24 =	simm.s32 $0x400;
	[sflag:s22] =	ssyncset.done $0x0  }
.LBB2_2:
0x30: {  	s26 =	sshra.s32 s24, $0x2  }
0x31: {  	[sflag:s22] =	ssyncadd.s32 $0xFFFFC180;
	s24 =	smov.u32 s25;
	s28 =	sadd.s32 $0x400, s25  }
0x32: {  	[tilespmem:s17], [sflag:$0x1] =	stream.indirect.gather [hbm4b:s0+s16], $0x80, s26, s16, $0xb8;
	[tilespmem:$0x1E800] =	vst v63  }
0x33: {  	p0 =	sne.s32 s25, $0x4C00;
	s25 =	sadd.s32 $0x80, s26  }
0x34: {  	[tilespmem:s18], [sflag:$0x2] =	stream.indirect.gather [hbm4b:s0+s16], $0x80, s25, s16, $0xb8;
	[tilespmem:$0x1E800] =	vst v63  }
0x35: {  	_ =	swait.ge [sflag:s19], $0x3E80  }
0x36: {  	[sflag:s19] =	ssyncset.done $0x0  }
0x37: {  	s25 =	sadd.s32 $0x1400, s26;
	[sflag:s19] =	ssyncadd.s32 $0xFFFFC180  }
0x38: {  	[spmem:s3] =	stream.indirect.scatter.add.f32 [tilespmem:s17], [sflag:$0x3], $0x80, s25, s16, $0xb8;
	[tilespmem:$0x1E800] =	vst v63  }
0x39: {  	_ =	swait.ge [sflag:s20], $0x3E80  }
0x3a: {  	[sflag:s20] =	ssyncset.done $0x0  }
0x3b: {  	s25 =	sadd.s32 $0x1480, s26;
	[sflag:s20] =	ssyncadd.s32 $0xFFFFC180  }
0x3c: {  	[spmem:s3] =	stream.indirect.scatter.add.f32 [tilespmem:s18], [sflag:$0x4], $0x80, s25, s16, $0xb8;
	[tilespmem:$0x1E800] =	vst v63  }
.Ltmp0:
0x3d: {  	_ =	swait.ge [sflag:s21], $0x3E80;
	(pc) =	sbr.rel @p0 .LBB2_2-.Ltmp0, $4  }
0x3e: {  	[sflag:s21] =	ssyncset.done $0x0  }
0x3f: {  	[sflag:s21] =	ssyncadd.s32 $0xFFFFC180  }
0x40: {  	_ =	swait.ge [sflag:s22], $0x3E80  }
0x41: {  	s25 =	smov.u32 s28;
	[sflag:s22] =	ssyncset.done $0x0  }
0x42: {  	s24 =	sshra.s32 s24, $0x2;
	[sflag:s22] =	ssyncadd.s32 $0xFFFFC180  }
0x43: {  	[tilespmem:s17], [sflag:$0x1] =	stream.indirect.gather [hbm4b:s0+s16], $0x80, s24, s16, $0xb8;
	[tilespmem:$0x1E800] =	vst v63  }
0x44: {  	s25 =	sadd.s32 $0x80, s24  }
0x45: {  	[tilespmem:s18], [sflag:$0x2] =	stream.indirect.gather [hbm4b:s0+s16], $0x80, s25, s16, $0xb8;
	[tilespmem:$0x1E800] =	vst v63  }
0x46: {  	_ =	swait.ge [sflag:s19], $0x3E80  }
0x47: {  	[sflag:s19] =	ssyncset.done $0x0  }
0x48: {  	s31 =	sadd.s32 $0x1400, s24;
	[sflag:s19] =	ssyncadd.s32 $0xFFFFC180  }
0x49: {  	[spmem:s3] =	stream.indirect.scatter.add.f32 [tilespmem:s17], [sflag:$0x3], $0x80, s31, s16, $0xb8;
	[tilespmem:$0x1E800] =	vst v63  }
0x4a: {  	_ =	swait.ge [sflag:s20], $0x3E80  }
0x4b: {  	[sflag:s20] =	ssyncset.done $0x0  }
0x4c: {  	s24 =	sadd.s32 $0x1480, s24;
	[sflag:s20] =	ssyncadd.s32 $0xFFFFC180  }
0x4d: {  	[spmem:s3] =	stream.indirect.scatter.add.f32 [tilespmem:s18], [sflag:$0x4], $0x80, s24, s16, $0xb8;
	[tilespmem:$0x1E800] =	vst v63  }
0x4e: {  	_ =	swait.ge [sflag:s21], $0x3E80  }
0x4f: {  	[sflag:s21] =	ssyncset.done $0x0  }
0x50: {  	[sflag:s21] =	ssyncadd.s32 $0xFFFFC180  }
0x51: {  	_ =	swait.ge [sflag:s22], $0x3E80  }
0x52: {  	[sflag:s22] =	ssyncset.done $0x0  }
0x53: {  	s26 =	simm.s32 $0x0;
	[sflag:s22] =	ssyncadd.s32 $0xFFFFC180  }
0x54: {  	[tilespmem:s26], [sflag:$0x5] =	stream.linear.gather [hbm4b:s11+s26], $0x1400, $0x38;
	[tilespmem:$0x1E800] =	vst v63  }
0x55: {  	_ =	swait.ge [sflag:s14], $0x1400  }
0x56: {  	[sflag:s14] =	ssyncset.done $0x0  }
0x57: {  	[sflag:s14] =	ssyncadd.s32 $0xFFFFEC00  }
0x58: {  	[tilespmem:s15], [sflag:$0x5] =	stream.linear.gather [hbm4b:s12+s26], $0x1400, $0x38;
	[tilespmem:$0x1E800] =	vst v63  }
0x59: {  	_ =	swait.ge [sflag:s14], $0x1400  }
0x5a: {  	[sflag:s14] =	ssyncset.done $0x0  }
0x5b: {  	s28 =	simm.s32 $0x0;
	[sflag:s14] =	ssyncadd.s32 $0xFFFFEC00  }
0x5c: {  	[tilespmem:s17], [sflag:$0x1] =	stream.indirect.gather [hbm4b:s0+s16], $0x80, s28, s16, $0xb8;
	[tilespmem:$0x1E800] =	vst v63  }
0x5d: {  	s29 =	simm.s32 $0x80  }
0x5e: {  	[tilespmem:s18], [sflag:$0x2] =	stream.indirect.gather [hbm4b:s0+s16], $0x80, s29, s16, $0xb8;
	[tilespmem:$0x1E800] =	vst v63  }
0x5f: {  	_ =	swait.ge [sflag:s19], $0x3E80  }
0x60: {  	[sflag:s19] =	ssyncset.done $0x0  }
0x61: {  	s30 =	simm.s32 $0x1400;
	[sflag:s19] =	ssyncadd.s32 $0xFFFFC180  }
0x62: {  	[spmem:s3] =	stream.indirect.scatter.add.f32 [tilespmem:s17], [sflag:$0x3], $0x80, s30, s16, $0xb8;
	[tilespmem:$0x1E800] =	vst v63  }
0x63: {  	_ =	swait.ge [sflag:s20], $0x3E80  }
0x64: {  	[sflag:s20] =	ssyncset.done $0x0  }
0x65: {  	s31 =	simm.s32 $0x1480;
	[sflag:s20] =	ssyncadd.s32 $0xFFFFC180  }
0x66: {  	[spmem:s3] =	stream.indirect.scatter.add.f32 [tilespmem:s18], [sflag:$0x4], $0x80, s31, s16, $0xb8;
	[tilespmem:$0x1E800] =	vst v63  }
0x67: {  	_ =	swait.ge [sflag:s21], $0x3E80  }
0x68: {  	[sflag:s21] =	ssyncset.done $0x0  }
0x69: {  	[sflag:s21] =	ssyncadd.s32 $0xFFFFC180  }
0x6a: {  	_ =	swait.ge [sflag:s22], $0x3E80  }
0x6b: {  	s25 =	simm.s32 $0x800;
	s24 =	simm.s32 $0x400;
	[sflag:s22] =	ssyncset.done $0x0  }
.LBB2_4:
0x6c: {  	s26 =	sshra.s32 s24, $0x2  }
0x6d: {  	[sflag:s22] =	ssyncadd.s32 $0xFFFFC180;
	s24 =	smov.u32 s25;
	s28 =	sadd.s32 $0x400, s25  }
0x6e: {  	[tilespmem:s17], [sflag:$0x1] =	stream.indirect.gather [hbm4b:s0+s16], $0x80, s26, s16, $0xb8;
	[tilespmem:$0x1E800] =	vst v63  }
0x6f: {  	p0 =	sne.s32 s25, $0x4C00;
	s25 =	sadd.s32 $0x80, s26  }
0x70: {  	[tilespmem:s18], [sflag:$0x2] =	stream.indirect.gather [hbm4b:s0+s16], $0x80, s25, s16, $0xb8;
	[tilespmem:$0x1E800] =	vst v63  }
0x71: {  	_ =	swait.ge [sflag:s19], $0x3E80  }
0x72: {  	[sflag:s19] =	ssyncset.done $0x0  }
0x73: {  	s25 =	sadd.s32 $0x1400, s26;
	[sflag:s19] =	ssyncadd.s32 $0xFFFFC180  }
0x74: {  	[spmem:s3] =	stream.indirect.scatter.add.f32 [tilespmem:s17], [sflag:$0x3], $0x80, s25, s16, $0xb8;
	[tilespmem:$0x1E800] =	vst v63  }
0x75: {  	_ =	swait.ge [sflag:s20], $0x3E80  }
0x76: {  	[sflag:s20] =	ssyncset.done $0x0  }
0x77: {  	s25 =	sadd.s32 $0x1480, s26;
	[sflag:s20] =	ssyncadd.s32 $0xFFFFC180  }
0x78: {  	[spmem:s3] =	stream.indirect.scatter.add.f32 [tilespmem:s18], [sflag:$0x4], $0x80, s25, s16, $0xb8;
	[tilespmem:$0x1E800] =	vst v63  }
.Ltmp1:
0x79: {  	_ =	swait.ge [sflag:s21], $0x3E80;
	(pc) =	sbr.rel @p0 .LBB2_4-.Ltmp1, $4  }
0x7a: {  	[sflag:s21] =	ssyncset.done $0x0  }
0x7b: {  	[sflag:s21] =	ssyncadd.s32 $0xFFFFC180  }
0x7c: {  	_ =	swait.ge [sflag:s22], $0x3E80  }
0x7d: {  	s25 =	smov.u32 s28;
	[sflag:s22] =	ssyncset.done $0x0  }
0x7e: {  	s24 =	sshra.s32 s24, $0x2;
	[sflag:s22] =	ssyncadd.s32 $0xFFFFC180  }
0x7f: {  	[tilespmem:s17], [sflag:$0x1] =	stream.indirect.gather [hbm4b:s0+s16], $0x80, s24, s16, $0xb8;
	[tilespmem:$0x1E800] =	vst v63  }
0x80: {  	s25 =	sadd.s32 $0x80, s24  }
0x81: {  	[tilespmem:s18], [sflag:$0x2] =	stream.indirect.gather [hbm4b:s0+s16], $0x80, s25, s16, $0xb8;
	[tilespmem:$0x1E800] =	vst v63  }
0x82: {  	_ =	swait.ge [sflag:s19], $0x3E80  }
0x83: {  	[sflag:s19] =	ssyncset.done $0x0  }
0x84: {  	s31 =	sadd.s32 $0x1400, s24;
	[sflag:s19] =	ssyncadd.s32 $0xFFFFC180  }
0x85: {  	[spmem:s3] =	stream.indirect.scatter.add.f32 [tilespmem:s17], [sflag:$0x3], $0x80, s31, s16, $0xb8;
	[tilespmem:$0x1E800] =	vst v63  }
0x86: {  	_ =	swait.ge [sflag:s20], $0x3E80  }
0x87: {  	[sflag:s20] =	ssyncset.done $0x0  }
0x88: {  	s24 =	sadd.s32 $0x1480, s24;
	[sflag:s20] =	ssyncadd.s32 $0xFFFFC180  }
0x89: {  	[spmem:s3] =	stream.indirect.scatter.add.f32 [tilespmem:s18], [sflag:$0x4], $0x80, s24, s16, $0xb8;
	[tilespmem:$0x1E800] =	vst v63  }
0x8a: {  	_ =	swait.ge [sflag:s21], $0x3E80  }
0x8b: {  	[sflag:s21] =	ssyncset.done $0x0  }
0x8c: {  	[sflag:s21] =	ssyncadd.s32 $0xFFFFC180  }
0x8d: {  	_ =	swait.ge [sflag:s22], $0x3E80  }
0x8e: {  	s23 =	sadd.s32 $0x1, s23;
	[sflag:s22] =	ssyncset.done $0x0  }
0x8f: {  	p0 =	sne.s32 s23, s8;
	[sflag:s22] =	ssyncadd.s32 $0xFFFFC180  }
.Ltmp2:
0x90: {  	[bflag:$0x0] =	sbarrier.arrive $0xFFFF;
	(pc) =	sbr.rel @p0 .LBB2_1-.Ltmp2, $4  }
0x91: {  	[hbm:s7], [sflag:s6] =	dma.local [spmem:s13], $0x2800  }
0x92: {  	_ =	swait.ge [sflag:s14], $0x2800  }
0x93: {  	[sflag:s14] =	ssyncset.done $0x0  }
0x94: {  	[sflag:s14] =	ssyncadd.s32 $0xFFFFD800  }
0x95: {  	_ =	sfence.sel $0x180000  }
0x96: {  	[bflag:$0x0] =	sbarrier.arrive $0xFFFF  }
0x97: {  	p0 =	sne.s32 s2, $0x0;
	_ =	strace $0x90000047  }
0x98: {  	s0 =	sadd.s32 @!p0 $0x100000, s1;
	[bflag:$0x2] =	sbarrier.arrive $0xFFFF  }
0x99: {  	[sflag:s0] =	ssyncadd.tile.s32 @!p0 $0x1;
	_ =	shalt  }
.Lfunc_end2:
_tile_overlayer_lowered:
.L_overlay_start_2:
0x9a: {  	(tag) =	ssettag $0x2  }
0x9b: {  	s0 =	rddreg [dreg:$0x0];
	s2 =	stileid.u32  }
0x9c: {  	s1 =	rddreg [dreg:$0x1];
	p0 =	sne.s32 s2, $0x0  }
0x9d: {  	s3 =	rddreg [dreg:$0x2];
	[bflag:$0x3] =	sbarrier.arrive $0xFFFF;
	s2 =	simm.s32 @!p0 $0x1C05  }
0x9e: {  	[timem:s3], [sflag:s2] =	dma.local @!p0 [hbm:s0], s1  }
0x9f: {  	s0 =	simm.s32 @!p0 $0x5  }
0xa0: {  	_ =	swait.ge @!p0 [sflag:s0], s1  }
0xa1: {  	s1 =	ssub.s32 @!p0 $0x0, s1;
	[sflag:s0] =	ssyncset.done @!p0 $0x0  }
0xa2: {  	[sflag:s0] =	ssyncadd.s32 @!p0 s1  }
0xa3: {  	[bflag:$0x3] =	sbarrier.arrive $0xFFFF  }
0xa4: {  	_ =	shalt  }

</sc_bundles>
